<compile_context>
chip_gen: v7x
topology: tpu7x:2x2x1
jax: 0.10.2.dev20260603
libtpu: 0.0.44.dev20260713+nightly
codegen_flags: <defaults>
</compile_context>

<pallas_src>
import functools

import jax
import jax.numpy as jnp
from jax import lax
from jax.experimental import pallas as pl
from jax.experimental.pallas import tpu as pltpu
from jax.experimental.pallas import tpu_sc as plsc

N = 1000000
G_TOTAL = N // 16
NC, NS = 2, 16
NW = NC * NS
PER = G_TOTAL // NW
REM = G_TOTAL - PER * NW
CHUNK_G = 256
NCHUNK = -(-(PER + 1) // CHUNK_G)

_mesh = plsc.VectorSubcoreMesh(core_axis_name="c", subcore_axis_name="s")


@functools.partial(
    pl.kernel,
    out_type=jax.ShapeDtypeStruct((8 * N,), jnp.float32),
    mesh=_mesh,
    scratch_types=[
        pltpu.VMEM((CHUNK_G * 48,), jnp.float32),
        pltpu.VMEM((CHUNK_G * 48,), jnp.float32),
        pltpu.VMEM((CHUNK_G * 64,), jnp.float32),
        pltpu.VMEM((CHUNK_G * 128,), jnp.float32),
    ],
    compiler_params=pltpu.CompilerParams(needs_layout_passes=False),
)
def _sc_body(n_hbm, p_hbm, f_hbm, out_hbm, n_v, p_v, f_v, o_v):
    wid = lax.axis_index("s") * NC + lax.axis_index("c")
    g0 = wid * PER + jnp.minimum(wid, REM)
    cnt = PER + jnp.where(wid < REM, 1, 0)
    g1 = g0 + cnt
    iota = lax.iota(jnp.int32, 16)
    l3 = iota * 3
    l4 = iota * 4
    l8 = iota * 8

    def frac_m05(x):
        t = x.astype(jnp.int32).astype(jnp.float32)
        t = t - jnp.where(t > x, 1.0, 0.0)
        return x - t - 0.5

    def group_body(i, _):
        bn = i * 48
        bf = i * 64
        bo = i * 128
        n0 = plsc.load_gather(n_v, [bn + l3])
        n1 = plsc.load_gather(n_v, [bn + l3 + 1])
        n2 = plsc.load_gather(n_v, [bn + l3 + 2])
        p0 = plsc.load_gather(p_v, [bn + l3])
        p1 = plsc.load_gather(p_v, [bn + l3 + 1])
        p2 = plsc.load_gather(p_v, [bn + l3 + 2])
        dis = (frac_m05(p0) * n0 + frac_m05(p1) * n1 + frac_m05(p2) * n2)
        f0 = plsc.load_gather(f_v, [bf + l4])
        f1 = plsc.load_gather(f_v, [bf + l4 + 1])
        f2 = plsc.load_gather(f_v, [bf + l4 + 2])
        f3 = plsc.load_gather(f_v, [bf + l4 + 3])
        plsc.store_scatter(o_v, [bo + l8], n0)
        plsc.store_scatter(o_v, [bo + l8 + 1], n1)
        plsc.store_scatter(o_v, [bo + l8 + 2], n2)
        plsc.store_scatter(o_v, [bo + l8 + 3], dis)
        plsc.store_scatter(o_v, [bo + l8 + 4], f0)
        plsc.store_scatter(o_v, [bo + l8 + 5], f1)
        plsc.store_scatter(o_v, [bo + l8 + 6], f2)
        plsc.store_scatter(o_v, [bo + l8 + 7], f3)
        return 0

    def chunk_body(c, _):
        gs = jnp.minimum(g0 + c * CHUNK_G, g1 - CHUNK_G)
        pltpu.sync_copy(n_hbm.at[pl.ds(gs * 48, CHUNK_G * 48)], n_v)
        pltpu.sync_copy(p_hbm.at[pl.ds(gs * 48, CHUNK_G * 48)], p_v)
        pltpu.sync_copy(f_hbm.at[pl.ds(gs * 64, CHUNK_G * 64)], f_v)
        lax.fori_loop(0, CHUNK_G, group_body, 0)
        pltpu.sync_copy(o_v, out_hbm.at[pl.ds(gs * 128, CHUNK_G * 128)])
        return 0

    lax.fori_loop(0, NCHUNK, chunk_body, 0)


def kernel(normals, points, features):
    out_flat = _sc_body(
        normals.reshape(-1), points.reshape(-1), features.reshape(-1)
    )
    return out_flat.reshape(N, 8)

# --- scband reference (transcript-rebuilt; emitter-appended) ---
"""Pipeline reference for scband-input-feature-46402826666185 (READ-ONLY COPY).

The authoritative reference and input builder live on the scoring server;
editing this copy changes nothing except your own understanding.
"""

import jax, jax.numpy as jnp
import numpy as np

N = 1000000
F_CH = 4
DEPTH = 8

def setup_inputs(seed: int = 0) -> dict:
    key = jax.random.key(seed)
    k1, k2, k3 = jax.random.split(key, 3)
    normals = jax.random.normal(k1, (N, 3), dtype=jnp.float32)
    # normalize to unit normals (realistic normal signal)
    normals = normals / (jnp.linalg.norm(normals, axis=1, keepdims=True) + 1e-8)
    # points live in the octree coordinate system at depth d: [0, 2**depth]
    points = jax.random.uniform(k2, (N, 3), dtype=jnp.float32) * float(2 ** DEPTH)
    features = jax.random.normal(k3, (N, F_CH), dtype=jnp.float32)
    return {"normals": normals, "points": points, "features": features}

def reference(normals, points, features):
    # feature string 'NDF', nempty=True
    feats = []
    # 'N': normal signal
    feats.append(normals)
    # 'D': local displacement = <frac(points) - 0.5, normals>
    local_points = (points - jnp.floor(points)) - 0.5
    dis = jnp.sum(local_points * normals, axis=1, keepdims=True)
    feats.append(dis)
    # 'F': extra per-node features
    feats.append(features)
    out = jnp.concatenate(feats, axis=1)
    # nempty=True -> no octree_pad
    return out

if __name__ == "__main__":
    import jax
    _d = setup_inputs()
    print(jax.jit(kernel)(*tuple(_d.values())))

</pallas_src>

<mosaic_0001>
#map = affine_map<(d0, d1) -> (0)>
module attributes {stable_mosaic.version = 14 : i64} {
  func.func @_sc_body(%arg0: i32, %arg1: i32, %arg2: memref<3000000xf32, #tpu.memory_space<hbm>>, %arg3: memref<3000000xf32, #tpu.memory_space<hbm>>, %arg4: memref<4000000xf32, #tpu.memory_space<hbm>>, %arg5: memref<8000000xf32, #tpu.memory_space<hbm>>, %arg6: memref<12288xf32, #tpu.memory_space<vmem>>, %arg7: memref<12288xf32, #tpu.memory_space<vmem>>, %arg8: memref<16384xf32, #tpu.memory_space<vmem>>, %arg9: memref<32768xf32, #tpu.memory_space<vmem>>) attributes {dimension_semantics = [#tpu.dimension_semantics<core_parallel>, #tpu.dimension_semantics<subcore_parallel>], iteration_bounds = array<i64: 2, 16>, scalar_prefetch = 0 : i64, scratch_operands = 4 : i64, tpu.core_type = #tpu.core_type<sc_vector_subcore>, window_params = [{transform_indices = #map}, {transform_indices = #map}, {transform_indices = #map}, {transform_indices = #map}]} {
    %mul3A = arith.constant 2 : i32
    %mul3A_0 = arith.muli %arg1, %mul3A : i32
    %add3A = arith.addi %mul3A_0, %arg0 : i32
    %mul3A_1 = arith.constant 1953 : i32
    %mul3A_2 = arith.muli %add3A, %mul3A_1 : i32
    %min3A = arith.constant 4 : i32
    %min3A_3 = arith.minsi %add3A, %min3A : i32
    %add3A_4 = arith.addi %mul3A_2, %min3A_3 : i32
    %lt3A = arith.constant 4 : i32
    %lt3A_5 = arith.cmpi slt, %add3A, %lt3A : i32
    %jit3A = arith.constant 1 : i32
    %jit3A_6 = arith.constant 0 : i32
    %select_n3A = arith.select %lt3A_5, %jit3A, %jit3A_6 : i32
    %add3A_7 = arith.constant 1953 : i32
    %add3A_8 = arith.addi %add3A_7, %select_n3A : i32
    %add3A_9 = arith.addi %add3A_4, %add3A_8 : i32
    %iota3A = tpu.iota {dimensions = array<i32: 0>} : vector<16xi32>
    %mul3A_10 = arith.constant 3 : i32
    %mul3A_11 = vector.broadcast %mul3A_10 : i32 to vector<16xi32>
    %mul3A_12 = arith.muli %iota3A, %mul3A_11 : vector<16xi32>
    %mul3A_13 = arith.constant 4 : i32
    %mul3A_14 = vector.broadcast %mul3A_13 : i32 to vector<16xi32>
    %mul3A_15 = arith.muli %iota3A, %mul3A_14 : vector<16xi32>
    %mul3A_16 = arith.constant 8 : i32
    %mul3A_17 = vector.broadcast %mul3A_16 : i32 to vector<16xi32>
    %mul3A_18 = arith.muli %iota3A, %mul3A_17 : vector<16xi32>
    %scan3A = arith.constant 0 : i32
    %scan3A_19 = arith.constant 0 : i32
    %scan3A_20 = arith.constant 8 : i32
    %scan3A_21 = arith.addi %scan3A_19, %scan3A_20 : i32
    %scan3A_22 = arith.constant 1 : i32
    %scan3A_23 = scf.for %scan3A_25 = %scan3A_19 to %scan3A_21 step %scan3A_22 iter_args(%scan3A_26 = %scan3A) -> (i32)  : i32 {
      %mul3A_27 = arith.constant 256 : i32
      %mul3A_28 = arith.muli %scan3A_25, %mul3A_27 : i32
      %add3A_29 = arith.addi %add3A_4, %mul3A_28 : i32
      %sub3A = arith.constant 256 : i32
      %sub3A_30 = arith.subi %add3A_9, %sub3A : i32
      %min3A_31 = arith.minsi %add3A_29, %sub3A_30 : i32
      %mul3A_32 = arith.constant 48 : i32
      %mul3A_33 = arith.muli %min3A_31, %mul3A_32 : i32
      "tpu.region"() ({
        %run_scoped3A = tpu.sem_alloc : memref<!tpu.dma_semaphore, #tpu.memory_space<semaphore_mem>>
        %dma_start3A = tpu.memref_slice %arg2[%mul3A_33] : memref<3000000xf32, #tpu.memory_space<hbm>> -> memref<12288xf32, #tpu.memory_space<hbm>>
        %dma_start3A_48 = tpu.memref_slice %arg2[%mul3A_33] : memref<3000000xf32, #tpu.memory_space<hbm>> -> memref<12288xf32, #tpu.memory_space<hbm>>
        tpu.enqueue_dma source(%dma_start3A_48 : memref<12288xf32, #tpu.memory_space<hbm>>) target(%arg6 : memref<12288xf32, #tpu.memory_space<vmem>>) target_semaphore(%run_scoped3A : memref<!tpu.dma_semaphore, #tpu.memory_space<semaphore_mem>>)
        %dma_wait3A = tpu.memref_slice %arg2[%mul3A_33] : memref<3000000xf32, #tpu.memory_space<hbm>> -> memref<12288xf32, #tpu.memory_space<hbm>>
        %dma_wait3A_49 = tpu.memref_slice %arg2[%mul3A_33] : memref<3000000xf32, #tpu.memory_space<hbm>> -> memref<12288xf32, #tpu.memory_space<hbm>>
        tpu.wait_dma2 semaphore(%run_scoped3A : memref<!tpu.dma_semaphore, #tpu.memory_space<semaphore_mem>>) src(%dma_wait3A_49 : memref<12288xf32, #tpu.memory_space<hbm>>) dst(%arg6 : memref<12288xf32, #tpu.memory_space<vmem>>)
        tpu.yield
      }) : () -> ()
      %mul3A_34 = arith.constant 48 : i32
      %mul3A_35 = arith.muli %min3A_31, %mul3A_34 : i32
      "tpu.region"() ({
        %run_scoped3A = tpu.sem_alloc : memref<!tpu.dma_semaphore, #tpu.memory_space<semaphore_mem>>
        %dma_start3A = tpu.memref_slice %arg3[%mul3A_35] : memref<3000000xf32, #tpu.memory_space<hbm>> -> memref<12288xf32, #tpu.memory_space<hbm>>
        %dma_start3A_48 = tpu.memref_slice %arg3[%mul3A_35] : memref<3000000xf32, #tpu.memory_space<hbm>> -> memref<12288xf32, #tpu.memory_space<hbm>>
        tpu.enqueue_dma source(%dma_start3A_48 : memref<12288xf32, #tpu.memory_space<hbm>>) target(%arg7 : memref<12288xf32, #tpu.memory_space<vmem>>) target_semaphore(%run_scoped3A : memref<!tpu.dma_semaphore, #tpu.memory_space<semaphore_mem>>)
        %dma_wait3A = tpu.memref_slice %arg3[%mul3A_35] : memref<3000000xf32, #tpu.memory_space<hbm>> -> memref<12288xf32, #tpu.memory_space<hbm>>
        %dma_wait3A_49 = tpu.memref_slice %arg3[%mul3A_35] : memref<3000000xf32, #tpu.memory_space<hbm>> -> memref<12288xf32, #tpu.memory_space<hbm>>
        tpu.wait_dma2 semaphore(%run_scoped3A : memref<!tpu.dma_semaphore, #tpu.memory_space<semaphore_mem>>) src(%dma_wait3A_49 : memref<12288xf32, #tpu.memory_space<hbm>>) dst(%arg7 : memref<12288xf32, #tpu.memory_space<vmem>>)
        tpu.yield
      }) : () -> ()
      %mul3A_36 = arith.constant 64 : i32
      %mul3A_37 = arith.muli %min3A_31, %mul3A_36 : i32
      "tpu.region"() ({
        %run_scoped3A = tpu.sem_alloc : memref<!tpu.dma_semaphore, #tpu.memory_space<semaphore_mem>>
        %dma_start3A = tpu.memref_slice %arg4[%mul3A_37] : memref<4000000xf32, #tpu.memory_space<hbm>> -> memref<16384xf32, #tpu.memory_space<hbm>>
        %dma_start3A_48 = tpu.memref_slice %arg4[%mul3A_37] : memref<4000000xf32, #tpu.memory_space<hbm>> -> memref<16384xf32, #tpu.memory_space<hbm>>
        tpu.enqueue_dma source(%dma_start3A_48 : memref<16384xf32, #tpu.memory_space<hbm>>) target(%arg8 : memref<16384xf32, #tpu.memory_space<vmem>>) target_semaphore(%run_scoped3A : memref<!tpu.dma_semaphore, #tpu.memory_space<semaphore_mem>>)
        %dma_wait3A = tpu.memref_slice %arg4[%mul3A_37] : memref<4000000xf32, #tpu.memory_space<hbm>> -> memref<16384xf32, #tpu.memory_space<hbm>>
        %dma_wait3A_49 = tpu.memref_slice %arg4[%mul3A_37] : memref<4000000xf32, #tpu.memory_space<hbm>> -> memref<16384xf32, #tpu.memory_space<hbm>>
        tpu.wait_dma2 semaphore(%run_scoped3A : memref<!tpu.dma_semaphore, #tpu.memory_space<semaphore_mem>>) src(%dma_wait3A_49 : memref<16384xf32, #tpu.memory_space<hbm>>) dst(%arg8 : memref<16384xf32, #tpu.memory_space<vmem>>)
        tpu.yield
      }) : () -> ()
      %scan3A_38 = arith.constant 0 : i32
      %scan3A_39 = arith.constant 0 : i32
      %scan3A_40 = arith.constant 256 : i32
      %scan3A_41 = arith.addi %scan3A_39, %scan3A_40 : i32
      %scan3A_42 = arith.constant 1 : i32
      %scan3A_43 = scf.for %scan3A_48 = %scan3A_39 to %scan3A_41 step %scan3A_42 iter_args(%scan3A_49 = %scan3A_38) -> (i32)  : i32 {
        %mul3A_50 = arith.constant 48 : i32
        %mul3A_51 = arith.muli %scan3A_48, %mul3A_50 : i32
        %mul3A_52 = arith.constant 64 : i32
        %mul3A_53 = arith.muli %scan3A_48, %mul3A_52 : i32
        %mul3A_54 = arith.constant 128 : i32
        %mul3A_55 = arith.muli %scan3A_48, %mul3A_54 : i32
        %add3A_56 = vector.broadcast %mul3A_51 : i32 to vector<16xi32>
        %add3A_57 = arith.addi %add3A_56, %mul3A_12 : vector<16xi32>
        %gather3A = tpu.vector_load_idx %arg6[%add3A_57] : memref<12288xf32, #tpu.memory_space<vmem>>[vector<16xi32>], vector<16xf32>,
        %add3A_58 = vector.broadcast %mul3A_51 : i32 to vector<16xi32>
        %add3A_59 = arith.addi %add3A_58, %mul3A_12 : vector<16xi32>
        %add3A_60 = arith.constant 1 : i32
        %add3A_61 = vector.broadcast %add3A_60 : i32 to vector<16xi32>
        %add3A_62 = arith.addi %add3A_59, %add3A_61 : vector<16xi32>
        %gather3A_63 = tpu.vector_load_idx %arg6[%add3A_62] : memref<12288xf32, #tpu.memory_space<vmem>>[vector<16xi32>], vector<16xf32>,
        %add3A_64 = vector.broadcast %mul3A_51 : i32 to vector<16xi32>
        %add3A_65 = arith.addi %add3A_64, %mul3A_12 : vector<16xi32>
        %add3A_66 = arith.constant 2 : i32
        %add3A_67 = vector.broadcast %add3A_66 : i32 to vector<16xi32>
        %add3A_68 = arith.addi %add3A_65, %add3A_67 : vector<16xi32>
        %gather3A_69 = tpu.vector_load_idx %arg6[%add3A_68] : memref<12288xf32, #tpu.memory_space<vmem>>[vector<16xi32>], vector<16xf32>,
        %add3A_70 = vector.broadcast %mul3A_51 : i32 to vector<16xi32>
        %add3A_71 = arith.addi %add3A_70, %mul3A_12 : vector<16xi32>
        %gather3A_72 = tpu.vector_load_idx %arg7[%add3A_71] : memref<12288xf32, #tpu.memory_space<vmem>>[vector<16xi32>], vector<16xf32>,
        %add3A_73 = vector.broadcast %mul3A_51 : i32 to vector<16xi32>
        %add3A_74 = arith.addi %add3A_73, %mul3A_12 : vector<16xi32>
        %add3A_75 = arith.constant 1 : i32
        %add3A_76 = vector.broadcast %add3A_75 : i32 to vector<16xi32>
        %add3A_77 = arith.addi %add3A_74, %add3A_76 : vector<16xi32>
        %gather3A_78 = tpu.vector_load_idx %arg7[%add3A_77] : memref<12288xf32, #tpu.memory_space<vmem>>[vector<16xi32>], vector<16xf32>,
        %add3A_79 = vector.broadcast %mul3A_51 : i32 to vector<16xi32>
        %add3A_80 = arith.addi %add3A_79, %mul3A_12 : vector<16xi32>
        %add3A_81 = arith.constant 2 : i32
        %add3A_82 = vector.broadcast %add3A_81 : i32 to vector<16xi32>
        %add3A_83 = arith.addi %add3A_80, %add3A_82 : vector<16xi32>
        %gather3A_84 = tpu.vector_load_idx %arg7[%add3A_83] : memref<12288xf32, #tpu.memory_space<vmem>>[vector<16xi32>], vector<16xf32>,
        %convert_element_type3A = arith.fptosi %gather3A_72 : vector<16xf32> to vector<16xi32>
        %convert_element_type3A_85 = arith.sitofp %convert_element_type3A : vector<16xi32> to vector<16xf32>
        %gt3A = arith.cmpf ogt, %convert_element_type3A_85, %gather3A_72 : vector<16xf32>
        %jit3A_86 = arith.constant 1.000000e+00 : f32
        %jit3A_87 = arith.constant 0.000000e+00 : f32
        %broadcast_in_dim3A = vector.broadcast %jit3A_86 : f32 to vector<16xf32>
        %broadcast_in_dim3A_88 = vector.broadcast %jit3A_87 : f32 to vector<16xf32>
        %select_n3A_89 = arith.select %gt3A, %broadcast_in_dim3A, %broadcast_in_dim3A_88 : vector<16xi1>, vector<16xf32>
        %sub3A_90 = arith.subf %convert_element_type3A_85, %select_n3A_89 : vector<16xf32>
        %sub3A_91 = arith.subf %gather3A_72, %sub3A_90 : vector<16xf32>
        %sub3A_92 = arith.constant 5.000000e-01 : f32
        %sub3A_93 = vector.broadcast %sub3A_92 : f32 to vector<16xf32>
        %sub3A_94 = arith.subf %sub3A_91, %sub3A_93 : vector<16xf32>
        %mul3A_95 = arith.mulf %sub3A_94, %gather3A : vector<16xf32>
        %convert_element_type3A_96 = arith.fptosi %gather3A_78 : vector<16xf32> to vector<16xi32>
        %convert_element_type3A_97 = arith.sitofp %convert_element_type3A_96 : vector<16xi32> to vector<16xf32>
        %gt3A_98 = arith.cmpf ogt, %convert_element_type3A_97, %gather3A_78 : vector<16xf32>
        %jit3A_99 = arith.constant 1.000000e+00 : f32
        %jit3A_100 = arith.constant 0.000000e+00 : f32
        %broadcast_in_dim3A_101 = vector.broadcast %jit3A_99 : f32 to vector<16xf32>
        %broadcast_in_dim3A_102 = vector.broadcast %jit3A_100 : f32 to vector<16xf32>
        %select_n3A_103 = arith.select %gt3A_98, %broadcast_in_dim3A_101, %broadcast_in_dim3A_102 : vector<16xi1>, vector<16xf32>
        %sub3A_104 = arith.subf %convert_element_type3A_97, %select_n3A_103 : vector<16xf32>
        %sub3A_105 = arith.subf %gather3A_78, %sub3A_104 : vector<16xf32>
        %sub3A_106 = arith.constant 5.000000e-01 : f32
        %sub3A_107 = vector.broadcast %sub3A_106 : f32 to vector<16xf32>
        %sub3A_108 = arith.subf %sub3A_105, %sub3A_107 : vector<16xf32>
        %mul3A_109 = arith.mulf %sub3A_108, %gather3A_63 : vector<16xf32>
        %add3A_110 = arith.addf %mul3A_95, %mul3A_109 : vector<16xf32>
        %convert_element_type3A_111 = arith.fptosi %gather3A_84 : vector<16xf32> to vector<16xi32>
        %convert_element_type3A_112 = arith.sitofp %convert_element_type3A_111 : vector<16xi32> to vector<16xf32>
        %gt3A_113 = arith.cmpf ogt, %convert_element_type3A_112, %gather3A_84 : vector<16xf32>
        %jit3A_114 = arith.constant 1.000000e+00 : f32
        %jit3A_115 = arith.constant 0.000000e+00 : f32
        %broadcast_in_dim3A_116 = vector.broadcast %jit3A_114 : f32 to vector<16xf32>
        %broadcast_in_dim3A_117 = vector.broadcast %jit3A_115 : f32 to vector<16xf32>
        %select_n3A_118 = arith.select %gt3A_113, %broadcast_in_dim3A_116, %broadcast_in_dim3A_117 : vector<16xi1>, vector<16xf32>
        %sub3A_119 = arith.subf %convert_element_type3A_112, %select_n3A_118 : vector<16xf32>
        %sub3A_120 = arith.subf %gather3A_84, %sub3A_119 : vector<16xf32>
        %sub3A_121 = arith.constant 5.000000e-01 : f32
        %sub3A_122 = vector.broadcast %sub3A_121 : f32 to vector<16xf32>
        %sub3A_123 = arith.subf %sub3A_120, %sub3A_122 : vector<16xf32>
        %mul3A_124 = arith.mulf %sub3A_123, %gather3A_69 : vector<16xf32>
        %add3A_125 = arith.addf %add3A_110, %mul3A_124 : vector<16xf32>
        %add3A_126 = vector.broadcast %mul3A_53 : i32 to vector<16xi32>
        %add3A_127 = arith.addi %add3A_126, %mul3A_15 : vector<16xi32>
        %gather3A_128 = tpu.vector_load_idx %arg8[%add3A_127] : memref<16384xf32, #tpu.memory_space<vmem>>[vector<16xi32>], vector<16xf32>,
        %add3A_129 = vector.broadcast %mul3A_53 : i32 to vector<16xi32>
        %add3A_130 = arith.addi %add3A_129, %mul3A_15 : vector<16xi32>
        %add3A_131 = arith.constant 1 : i32
        %add3A_132 = vector.broadcast %add3A_131 : i32 to vector<16xi32>
        %add3A_133 = arith.addi %add3A_130, %add3A_132 : vector<16xi32>
        %gather3A_134 = tpu.vector_load_idx %arg8[%add3A_133] : memref<16384xf32, #tpu.memory_space<vmem>>[vector<16xi32>], vector<16xf32>,
        %add3A_135 = vector.broadcast %mul3A_53 : i32 to vector<16xi32>
        %add3A_136 = arith.addi %add3A_135, %mul3A_15 : vector<16xi32>
        %add3A_137 = arith.constant 2 : i32
        %add3A_138 = vector.broadcast %add3A_137 : i32 to vector<16xi32>
        %add3A_139 = arith.addi %add3A_136, %add3A_138 : vector<16xi32>
        %gather3A_140 = tpu.vector_load_idx %arg8[%add3A_139] : memref<16384xf32, #tpu.memory_space<vmem>>[vector<16xi32>], vector<16xf32>,
        %add3A_141 = vector.broadcast %mul3A_53 : i32 to vector<16xi32>
        %add3A_142 = arith.addi %add3A_141, %mul3A_15 : vector<16xi32>
        %add3A_143 = arith.constant 3 : i32
        %add3A_144 = vector.broadcast %add3A_143 : i32 to vector<16xi32>
        %add3A_145 = arith.addi %add3A_142, %add3A_144 : vector<16xi32>
        %gather3A_146 = tpu.vector_load_idx %arg8[%add3A_145] : memref<16384xf32, #tpu.memory_space<vmem>>[vector<16xi32>], vector<16xf32>,
        %add3A_147 = vector.broadcast %mul3A_55 : i32 to vector<16xi32>
        %add3A_148 = arith.addi %add3A_147, %mul3A_18 : vector<16xi32>
        tpu.vector_store_idx %arg9[%add3A_148], %gather3A : memref<32768xf32, #tpu.memory_space<vmem>>[vector<16xi32>], vector<16xf32>,
        %add3A_149 = vector.broadcast %mul3A_55 : i32 to vector<16xi32>
        %add3A_150 = arith.addi %add3A_149, %mul3A_18 : vector<16xi32>
        %add3A_151 = arith.constant 1 : i32
        %add3A_152 = vector.broadcast %add3A_151 : i32 to vector<16xi32>
        %add3A_153 = arith.addi %add3A_150, %add3A_152 : vector<16xi32>
        tpu.vector_store_idx %arg9[%add3A_153], %gather3A_63 : memref<32768xf32, #tpu.memory_space<vmem>>[vector<16xi32>], vector<16xf32>,
        %add3A_154 = vector.broadcast %mul3A_55 : i32 to vector<16xi32>
        %add3A_155 = arith.addi %add3A_154, %mul3A_18 : vector<16xi32>
        %add3A_156 = arith.constant 2 : i32
        %add3A_157 = vector.broadcast %add3A_156 : i32 to vector<16xi32>
        %add3A_158 = arith.addi %add3A_155, %add3A_157 : vector<16xi32>
        tpu.vector_store_idx %arg9[%add3A_158], %gather3A_69 : memref<32768xf32, #tpu.memory_space<vmem>>[vector<16xi32>], vector<16xf32>,
        %add3A_159 = vector.broadcast %mul3A_55 : i32 to vector<16xi32>
        %add3A_160 = arith.addi %add3A_159, %mul3A_18 : vector<16xi32>
        %add3A_161 = arith.constant 3 : i32
        %add3A_162 = vector.broadcast %add3A_161 : i32 to vector<16xi32>
        %add3A_163 = arith.addi %add3A_160, %add3A_162 : vector<16xi32>
        tpu.vector_store_idx %arg9[%add3A_163], %add3A_125 : memref<32768xf32, #tpu.memory_space<vmem>>[vector<16xi32>], vector<16xf32>,
        %add3A_164 = vector.broadcast %mul3A_55 : i32 to vector<16xi32>
        %add3A_165 = arith.addi %add3A_164, %mul3A_18 : vector<16xi32>
        %add3A_166 = arith.constant 4 : i32
        %add3A_167 = vector.broadcast %add3A_166 : i32 to vector<16xi32>
        %add3A_168 = arith.addi %add3A_165, %add3A_167 : vector<16xi32>
        tpu.vector_store_idx %arg9[%add3A_168], %gather3A_128 : memref<32768xf32, #tpu.memory_space<vmem>>[vector<16xi32>], vector<16xf32>,
        %add3A_169 = vector.broadcast %mul3A_55 : i32 to vector<16xi32>
        %add3A_170 = arith.addi %add3A_169, %mul3A_18 : vector<16xi32>
        %add3A_171 = arith.constant 5 : i32
        %add3A_172 = vector.broadcast %add3A_171 : i32 to vector<16xi32>
        %add3A_173 = arith.addi %add3A_170, %add3A_172 : vector<16xi32>
        tpu.vector_store_idx %arg9[%add3A_173], %gather3A_134 : memref<32768xf32, #tpu.memory_space<vmem>>[vector<16xi32>], vector<16xf32>,
        %add3A_174 = vector.broadcast %mul3A_55 : i32 to vector<16xi32>
        %add3A_175 = arith.addi %add3A_174, %mul3A_18 : vector<16xi32>
        %add3A_176 = arith.constant 6 : i32
        %add3A_177 = vector.broadcast %add3A_176 : i32 to vector<16xi32>
        %add3A_178 = arith.addi %add3A_175, %add3A_177 : vector<16xi32>
        tpu.vector_store_idx %arg9[%add3A_178], %gather3A_140 : memref<32768xf32, #tpu.memory_space<vmem>>[vector<16xi32>], vector<16xf32>,
        %add3A_179 = vector.broadcast %mul3A_55 : i32 to vector<16xi32>
        %add3A_180 = arith.addi %add3A_179, %mul3A_18 : vector<16xi32>
        %add3A_181 = arith.constant 7 : i32
        %add3A_182 = vector.broadcast %add3A_181 : i32 to vector<16xi32>
        %add3A_183 = arith.addi %add3A_180, %add3A_182 : vector<16xi32>
        tpu.vector_store_idx %arg9[%add3A_183], %gather3A_146 : memref<32768xf32, #tpu.memory_space<vmem>>[vector<16xi32>], vector<16xf32>,
        %scan3A_184 = arith.constant 0 : i32
        scf.yield %scan3A_184 : i32
      }
      %scan3A_44 = arith.constant 256 : i32
      %mul3A_45 = arith.constant 128 : i32
      %mul3A_46 = arith.muli %min3A_31, %mul3A_45 : i32
      "tpu.region"() ({
        %run_scoped3A = tpu.sem_alloc : memref<!tpu.dma_semaphore, #tpu.memory_space<semaphore_mem>>
        %dma_start3A = tpu.memref_slice %arg5[%mul3A_46] : memref<8000000xf32, #tpu.memory_space<hbm>> -> memref<32768xf32, #tpu.memory_space<hbm>>
        %dma_start3A_48 = tpu.memref_slice %arg5[%mul3A_46] : memref<8000000xf32, #tpu.memory_space<hbm>> -> memref<32768xf32, #tpu.memory_space<hbm>>
        tpu.enqueue_dma source(%arg9 : memref<32768xf32, #tpu.memory_space<vmem>>) target(%dma_start3A_48 : memref<32768xf32, #tpu.memory_space<hbm>>) target_semaphore(%run_scoped3A : memref<!tpu.dma_semaphore, #tpu.memory_space<semaphore_mem>>)
        %dma_wait3A = tpu.memref_slice %arg5[%mul3A_46] : memref<8000000xf32, #tpu.memory_space<hbm>> -> memref<32768xf32, #tpu.memory_space<hbm>>
        %dma_wait3A_49 = tpu.memref_slice %arg5[%mul3A_46] : memref<8000000xf32, #tpu.memory_space<hbm>> -> memref<32768xf32, #tpu.memory_space<hbm>>
        tpu.wait_dma2 semaphore(%run_scoped3A : memref<!tpu.dma_semaphore, #tpu.memory_space<semaphore_mem>>) src(%arg9 : memref<32768xf32, #tpu.memory_space<vmem>>) dst(%dma_wait3A_49 : memref<32768xf32, #tpu.memory_space<hbm>>)
        tpu.yield
      }) : () -> ()
      %scan3A_47 = arith.constant 0 : i32
      scf.yield %scan3A_47 : i32
    }
    %scan3A_24 = arith.constant 8 : i32
    return
  }
}

</mosaic_0001>

<sc_bundles>
// kernel: kernel.3.cloned.1.call-start
scs
__scs_entry_jumppad:
0x0: {  	(pc) =	sbr.rel $0x88, $3  }
0x1: {  	(tag) =	ssettag $0x0;
	lr =	simm.s32 $0x1  }
0x2: {  	[smem:$0x3F9E] =	sst lr;
	_ =	strace $0xD0000000  }
0x3: {  	_ = 	snop  }
0x4: {  	_ = 	snop  }
0x5: {  	_ = 	snop  }
0x6: {  	_ = 	snop  }
0x7: {  	_ = 	snop  }
__scs_overlays_trampoline_lowered:
0x8: {  	[smem:$0x3FAD] =	sst s0  }
0x9: {  	[smem:$0x3FAE] =	sst s1  }
0xa: {  	[smem:$0x3FAF] =	sst s2  }
0xb: {  	[smem:$0x3FB0] =	sst s3  }
0xc: {  	[smem:$0x3FB1] =	sst s4  }
0xd: {  	[smem:$0x3FB2] =	sst s5  }
0xe: {  	[smem:$0x3FB3] =	sst s6  }
0xf: {  	[smem:$0x3FB4] =	sst s7  }
0x10: {  	[smem:$0x3FB5] =	sst s8  }
0x11: {  	[smem:$0x3FB6] =	sst s9;
	s0 =	simm.s32 @!p0 $0x0  }
0x12: {  	s1 =	sld [smem:$0x3F9C];
	s0 =	simm.s32 @p0 $0x1  }
0x13: {  	[smem:$0x3FB7] =	sst s0;
	s0 =	simm.s32 @!p1 $0x0  }
0x14: {  	s2 =	sld [smem:$0x3F9B];
	s0 =	simm.s32 @p1 $0x1  }
0x15: {  	[smem:$0x3FB8] =	sst s0;
	s0 =	simm.s32 @!p2 $0x0  }
0x16: {  	s3 =	sld [smem:$0x3FDB];
	s0 =	simm.s32 @p2 $0x1  }
0x17: {  	s4 =	simm.s32 $0x1BF5;
	[smem:$0x3FBA] =	sst s0  }
0x18: {  	s0 =	sld [smem:$0x3F9D];
	_ =	swait.ge [sflag:s4], $0x0  }
0x19: {  	s7 =	sld [smem:$0x3F9E]  }
0x1a: {  	s8 =	sadd.s32 $0xFFFFE003, lr  }
0x1b: {  	s9 =	sadd.s32 $0xFFFFFEF7, lr;
	s5 =	simm.s32 $0xFFFFFFFF;
	p2 =	slt.u32 s8, $0xFFFFF086  }
0x1c: {  	p1 =	slt.u32 s9, $0xF7A;
	s5 =	simm.s32 @!p2 $0x0  }
0x1d: {  	s5 =	simm.s32 @p1 $0x1;
	p0 =	seq.s32 s7, s2  }
0x1e: {  	s7 =	smul.u32 @!p0 $0xF7A, s2;
	p2 =	seq.s32 @!p0 s5, $0x0  }
0x1f: {  	s9 =	smul.u32 $0xF7A, s1;
	s8 =	simm.s32 @!p0 $0x1BF5;
	p2 =	por !p2, p0  }
0x20: {  	[sflag:s8] =	ssyncset.s32 @!p0 $0xFFFFF086;
	s6 =	sadd.s32 @!p0 s3, s7;
	s7 =	simm.s32 @!p0 $0x108  }
0x21: {  	s3 =	sadd.s32 s3, s9;
	s6 =	sadd.s32 @!p0 $0x88, s6;
	s7 =	simm.s32 @p2 $0x1082  }
0x22: {  	[simem:s7], [sflag:s8] =	dma.local @!p0 [hbm:s6], $0xF7A  }
0x23: {  	s9 =	sor.u32 $0xD0000000, s2;
	s6 =	simm.s32 $0x108;
	_ =	swait.ge @!p0 [sflag:s8], $0x0  }
0x24: {  	s3 =	sadd.s32 $0x88, s3;
	s6 =	simm.s32 @!p1 $0x1082;
	[sflag:s4] =	ssyncset.s32 $0xFFFFF086  }
0x25: {  	[simem:s6], [sflag:s4] =	dma.local [hbm:s3], $0xF7A  }
0x26: {  	[smem:$0x3F9E] =	sst s1;
	(tag) =	ssettag s2;
	_ =	strace s9  }
0x27: {  	s1 =	sld [smem:$0x3FAE]  }
0x28: {  	s2 =	sld [smem:$0x3FAF]  }
0x29: {  	s4 =	sld [smem:$0x3FB1]  }
0x2a: {  	p0 =	seq.s32 s5, $0x0;
	s5 =	sld [smem:$0x3FB2]  }
0x2b: {  	s6 =	sld [smem:$0x3FB3]  }
0x2c: {  	s7 =	sld [smem:$0x3FB4]  }
0x2d: {  	s3 =	simm.s32 $0x108;
	s8 =	sld [smem:$0x3FB5]  }
0x2e: {  	s3 =	simm.s32 @!p0 $0x1082;
	s9 =	sld [smem:$0x3FB6]  }
0x2f: {  	lr =	sadd.s32 s0, s3;
	s0 =	sld [smem:$0x3FAD]  }
0x30: {  	s3 =	sld [smem:$0x3FB0]  }
0x31: {  	[smem:$0x3FB9] =	sst s10  }
0x32: {  	s10 =	sld [smem:$0x3FB7];
	_ =	sdelay $0x3  }
0x33: {  	p0 =	seq.s32 s10, $0x1;
	s10 =	sld [smem:$0x3FB9];
	_ =	sdelay $0x3  }
0x34: {  	[smem:$0x3FB9] =	sst s10  }
0x35: {  	s10 =	sld [smem:$0x3FB8];
	_ =	sdelay $0x3  }
0x36: {  	p1 =	seq.s32 s10, $0x1;
	s10 =	sld [smem:$0x3FB9];
	_ =	sdelay $0x3  }
0x37: {  	[smem:$0x3FB9] =	sst s10  }
0x38: {  	s10 =	sld [smem:$0x3FBA]  }
0x39: {  	_ = 	snop;
	(pc) =	sbr.ind lr, $3  }
0x3a: {  	_ = 	snop  }
0x3b: {  	_ = 	snop  }
0x3c: {  	p2 =	seq.s32 s10, $0x1;
	s10 =	sld [smem:$0x3FB9]  }
0x3d: {  	_ =	shalt  }
0x3e: {  	_ =	shalt  }
0x3f: {  	_ =	shalt  }
0x40: {  	_ =	shalt  }
0x41: {  	_ =	shalt  }
0x42: {  	_ =	shalt  }
0x43: {  	_ =	shalt  }
0x44: {  	_ =	shalt  }
0x45: {  	_ =	shalt  }
0x46: {  	_ =	shalt  }
0x47: {  	_ =	shalt  }
0x48: {  	_ =	shalt  }
0x49: {  	_ =	shalt  }
0x4a: {  	_ =	shalt  }
0x4b: {  	_ =	shalt  }
0x4c: {  	_ =	shalt  }
0x4d: {  	_ =	shalt  }
0x4e: {  	_ =	shalt  }
0x4f: {  	_ =	shalt  }
0x50: {  	_ =	shalt  }
0x51: {  	_ =	shalt  }
0x52: {  	_ =	shalt  }
0x53: {  	_ =	shalt  }
0x54: {  	_ =	shalt  }
0x55: {  	_ =	shalt  }
0x56: {  	_ =	shalt  }
0x57: {  	_ =	shalt  }
0x58: {  	_ =	shalt  }
0x59: {  	_ =	shalt  }
0x5a: {  	_ =	shalt  }
0x5b: {  	_ =	shalt  }
0x5c: {  	_ =	shalt  }
0x5d: {  	_ =	shalt  }
0x5e: {  	_ =	shalt  }
0x5f: {  	_ =	shalt  }
0x60: {  	_ =	shalt  }
0x61: {  	_ =	shalt  }
0x62: {  	_ =	shalt  }
0x63: {  	_ =	shalt  }
0x64: {  	_ =	shalt  }
0x65: {  	_ =	shalt  }
0x66: {  	_ =	shalt  }
0x67: {  	_ =	shalt  }
0x68: {  	_ =	shalt  }
0x69: {  	_ =	shalt  }
0x6a: {  	_ =	shalt  }
0x6b: {  	_ =	shalt  }
0x6c: {  	_ =	shalt  }
0x6d: {  	_ =	shalt  }
0x6e: {  	_ =	shalt  }
0x6f: {  	_ =	shalt  }
0x70: {  	_ =	shalt  }
0x71: {  	_ =	shalt  }
0x72: {  	_ =	shalt  }
0x73: {  	_ =	shalt  }
0x74: {  	_ =	shalt  }
0x75: {  	_ =	shalt  }
0x76: {  	_ =	shalt  }
0x77: {  	_ =	shalt  }
0x78: {  	_ =	shalt  }
0x79: {  	_ =	shalt  }
0x7a: {  	_ =	shalt  }
0x7b: {  	_ =	shalt  }
0x7c: {  	_ =	shalt  }
0x7d: {  	_ =	shalt  }
0x7e: {  	_ =	shalt  }
0x7f: {  	_ =	shalt  }
0x80: {  	_ =	shalt  }
0x81: {  	_ =	shalt  }
0x82: {  	_ =	shalt  }
0x83: {  	_ =	shalt  }
0x84: {  	_ =	shalt  }
0x85: {  	_ =	shalt  }
0x86: {  	_ =	shalt  }
0x87: {  	_ =	shalt  }
.Lfunc_end0:
.L_simem_size_0:
called_computation_lowered:
.L_overlay_start_0:
0x88: {  	s2 =	sld [smem:$0x3FD9]  }
0x89: {  	s3 =	sld [smem:$0x3FFE];
	_ =	sdelay $0x1  }
0x8a: {  	s1 =	srdreg.scid  }
0x8b: {  	s0 =	sand.u32 $0x1, s1  }
0x8c: {  	s17 =	sshll.u32 s0, $0xA;
	s2 =	sadd.s32 s3, s2  }
0x8d: {  	s2 =	sadd.s32 s2, s17  }
0x8e: {  	[smem:$0x3FC5] =	sst s2  }
0x8f: {  	_ = 	snop  }
0x90: {  	s2 =	sld [smem:$0x3FD0];
	(tm) =	ssettm $0x1  }
0x91: {  	s18 =	sld [smem:$0x3FFB];
	_ =	sdelay $0x3  }
0x92: {  	_ =	strace s18  }
0x93: {  	s3 =	sld [smem:$0x3FFC];
	_ =	sdelay $0x3  }
0x94: {  	_ =	strace s3  }
0x95: {  	s3 =	sld [smem:$0x3FFD];
	_ =	sdelay $0x3  }
0x96: {  	_ =	strace s3  }
0x97: {  	_ =	strace $0x8FFFFFFF  }
0x98: {  	s19 =	sld [smem:$0x3FDB];
	_ =	sdelay $0x1  }
0x99: {  	s4 =	simm.s32 $_scs_section_size  }
0x9a: {  	s5 =	simm.s32 $_size__tile_overlayer_lowered;
	s6 =	simm.s32 $_tile_overlayer_lowered  }
0x9b: {  	s22 =	simm.s32 $0x1BFF;
	s21 =	sshll.u32 s6, $0x1;
	s3 =	sadd.s32 s4, s19  }
0x9c: {  	s7 =	simm.s32 $0x0;
	s20 =	sshll.u32 s5, $0x1;
	s5 =	sadd.s32 s21, s3  }
0x9d: {  	[timem:s7], [sflag:s22] =	dma.local [hbm:s5], s20  }
0x9e: {  	_ =	swait.ge [sflag:s22], s20  }
0x9f: {  	s4 =	ssub.s32 $0x0, s20;
	[sflag:s22] =	ssyncset.done $0x0  }
0xa0: {  	[sflag:s22] =	ssyncadd.s32 s4;
	_ =	sdelay $0x1  }
0xa1: {  	s23 =	simm.s32 $0x1B8B  }
0xa2: {  	_ =	swait.ge [sflag:s23], $0x1  }
0xa3: {  	[sflag:s23] =	ssyncset.done $0x0  }
0xa4: {  	s25 =	simm.s32 $0x1B8E;
	s24 =	sld [smem:$0x3FFE];
	[sflag:s23] =	ssyncadd.s32 $0xFFFFFFFF  }
0xa5: {  	s26 =	simm.s32 $execute0_lowered;
	[smem:$0x3FD2] =	sst s25  }
0xa6: {  	s5 =	sshll.u32 s26, $0x1;
	_ =	strace $0x80000046;
	[dreg:$0x1] =	wrdreg $0xFFFFFFFF  }
0xa7: {  	s28 =	simm.s32 $_size_execute0_lowered;
	s3 =	sadd.s32 s3, s5;
	[dreg:$0x0] =	wrdreg $0x0  }
0xa8: {  	s5 =	sshll.u32 s28, $0x1;
	[dreg:$0x2] =	wrdreg s3  }
0xa9: {  	[dreg:$0x3] =	wrdreg s5  }
0xaa: {  	[dreg:$0x4] =	wrdreg $0xC0  }
0xab: {  	_ =	task [dreg:s7], $0x5FFFF  }
0xac: {  	[dreg:$0x1] =	wrdreg $0xFFFFFFFF  }
0xad: {  	[dreg:$0x0] =	wrdreg $0x60  }
0xae: {  	[dreg:$0x2] =	wrdreg s24  }
0xaf: {  	[dreg:$0x3] =	wrdreg s2  }
0xb0: {  	[dreg:$0x4] =	wrdreg $0x9  }
0xb1: {  	_ =	task.clear_ibuf [dreg:s7], $0x5FFFF;
	_ =	strace $0x90000046  }
0xb2: {  	s29 =	simm.s32 $0x9;
	_ =	strace $0x80000048  }
0xb3: {  	_ =	swait.ge [sflag:s29], $0x1  }
0xb4: {  	[sflag:s29] =	ssyncadd.s32 $0xFFFFFFFF  }
0xb5: {  	_ =	strace $0x90000048  }
0xb6: {  	_ =	sfence  }
0xb7: {  	s30 =	sld [smem:$0x0];
	_ =	sdelay $0x2  }
0xb8: {  	s31 =	sshll.u32 s1, $0xD;
	s1 =	sshrl.u32 s1, $0x2  }
0xb9: {  	s3 =	sand.u32 $0x4000, s31;
	s1 =	sadd.s32 s1, s30  }
0xba: {  	s0 =	sor.u32 s3, s0;
	s1 =	sshll.u32 s1, $0x11  }
0xbb: {  	s0 =	sor.u32 s1, s0  }
0xbc: {  	s0 =	sadd.s32 $0x8F2B, s0  }
0xbd: {  	[sflag:s0] =	ssyncadd.remote.s32 $0x1  }
0xbe: {  	_ =	sfence.sel $0xFFFF  }
0xbf: {  	[dreg:$0x0] =	wrdreg $0xFFFFFFFF;
	(pc) =	sbr.abs _section_cstart, $3  }
0xc0: {  	[dreg:$0x1] =	wrdreg $0xFFFFFFFF  }
0xc1: {  	_ =	task.clear_ibuf [dreg:s7], $0x2FFFF;
	_ =	strace $0x9FFFFFFF  }
0xc2: {  	(tm) =	ssettm $0x7FFFFFFF  }
0xc3: {  	_ =	shalt  }
tec
execute0_lowered:
.L_overlay_start_1:
0x0: {  	(tag) =	ssettag $0x1  }
0x1: {  	s6 =	rddreg [dreg:$0x0]  }
0x2: {  	s1 =	rddreg [dreg:$0x1]  }
0x3: {  	s0 =	rddreg [dreg:$0x2];
	s3 =	simm.s32 $0x0;
	s5 =	srdreg.scid  }
0x4: {  	s2 =	stileid.u32;
	s12 =	simm.s32 $0x6000;
	s13 =	simm.s32 $0xA000  }
0x5: {  	v3 =	vlaneseq.u32;
	s14 =	simm.s32 $0x0;
	[smem:$0x7FF] =	sst s3;
	s4 =	sadd.s32 $0xF42C00, s6  }
0x6: {  	s7 =	sand.u32 $0x1, s5;
	s8 =	sshll.u32 s2, $0x1;
	v0 =	vmul.u32 $0x3, v3;
	s5 =	sadd.s32 $0xF9E600, s6;
	v1 =	vmul.u32 $0x4, v3  }
0x7: {  	v5 =	vimm.f32 $0.0e+00;
	s6 =	sadd.s32 $0xFFA000, s6;
	v3 =	vmul.u32 $0x8, v3;
	s9 =	ssub.s32 $0x2, s7;
	s7 =	sor.u32 s7, s8  }
0x8: {  	p0 =	slt.u32 s2, $0x2;
	_ =	strace $0x80000047;
	s10 =	smul.u32 $0x7A1, s7;
	v2 =	vadd.s32 $0x1, v0;
	v4 =	vadd.s32 $0x2, v0;
	v6 =	vor.u32 $0x1, v1  }
0x9: {  	s31 =	sshrl.u32 s9, $0x1;
	s11 =	smin.u32 s7, $0x4;
	s7 =	simm.s32 $0x6A2;
	v7 =	vor.u32 $0x2, v1;
	v8 =	vor.u32 $0x3, v1;
	v9 =	vor.u32 $0x1, v3  }
0xa: {  	v10 =	vor.u32 $0x2, v3;
	v11 =	vor.u32 $0x3, v3;
	v12 =	vor.u32 $0x4, v3;
	s9 =	ssub.s32 s9, s31;
	s7 =	simm.s32 @!p0 $0x6A1;
	s8 =	sadd.s32 s11, s10  }
0xb: {  	v13 =	vor.u32 $0x5, v3;
	v14 =	vor.u32 $0x6, v3;
	v15 =	vor.u32 $0x7, v3;
	s9 =	smax.u32 s9, $0x1;
	s10 =	simm.s32 $0x1;
	s11 =	simm.s32 $0x3000  }
.LBB2_1:
0xc: {  	s15 =	simm.s32 $0x0  }
.LBB2_2:
0xd: {  	s16 =	sshll.u32 s15, $0x8  }
0xe: {  	s16 =	smin.u32 s16, s7  }
0xf: {  	s16 =	sadd.s32 s8, s16  }
0x10: {  	s18 =	smul.u32 $0x6, s16;
	_ =	sdelay $0x1  }
0x11: {  	s17 =	simm.s32 $0x0;
	s19 =	sadd.s32 s4, s18  }
0x12: {  	[tilespmem:s17], [sflag:$0x1] =	stream.linear.gather [hbm4b:s19+s17], $0x3000, $0x38;
	[tilespmem:$0x12000] =	vst v63  }
0x13: {  	_ =	swait.ge [sflag:s10], $0x3000  }
0x14: {  	[sflag:s10] =	ssyncset.done $0x0  }
0x15: {  	s18 =	sadd.s32 s5, s18;
	[sflag:s10] =	ssyncadd.s32 $0xFFFFD000  }
0x16: {  	[tilespmem:s11], [sflag:$0x1] =	stream.linear.gather [hbm4b:s18+s17], $0x3000, $0x38;
	[tilespmem:$0x12000] =	vst v63  }
0x17: {  	_ =	swait.ge [sflag:s10], $0x3000  }
0x18: {  	s30 =	sshll.u32 s16, $0x3;
	[sflag:s10] =	ssyncset.done $0x0  }
0x19: {  	v16 =	vadd.s32 s17, v0;
	s18 =	sadd.s32 s6, s30;
	[sflag:s10] =	ssyncadd.s32 $0xFFFFD000  }
0x1a: {  	v17 =	vadd.s32 s17, v2;
	[tilespmem:s12], [sflag:$0x1] =	stream.linear.gather [hbm4b:s18+s17], $0x4000, $0x38;
	[tilespmem:$0x12000] =	vst v63  }
0x1b: {  	_ =	swait.ge [sflag:s10], $0x4000  }
0x1c: {  	v18 =	vadd.s32 s17, v4;
	[sflag:s10] =	ssyncset.done $0x0  }
0x1d: {  	[sflag:s10] =	ssyncadd.s32 $0xFFFFC000  }
0x1e: {  	v19 =	vld.idx.msk [tilespmem:v16+s11+$0x0], $0xffff  }
0x1f: {  	v20 =	vld.idx.msk [tilespmem:v17+s11+$0x0], $0xffff;
	_ =	sdelay $0x1  }
0x20: {  	v21 =	vld.idx.msk [tilespmem:v18+s11+$0x0], $0xffff;
	_ =	sdelay $0x1  }
0x21: {  	v22 =	vtrunc.f32 v19  }
0x22: {  	v23 =	vtrunc.f32 v20;
	v22 =	vcvt.f32.s32 v22  }
0x23: {  	v23 =	vcvt.f32.s32 v23  }
0x24: {  	v24 =	vtrunc.f32 v21;
	v22 =	vcvt.s32.f32 v22  }
0x25: {  	v24 =	vcvt.f32.s32 v24;
	v23 =	vcvt.s32.f32 v23  }
0x26: {  	vm0 =	vlt.f32 v19, v22  }
0x27: {  	v24 =	vcvt.s32.f32 v24;
	vm14 =	vlt.f32 v20, v23;
	v25 =	vsel vm0, $0x3F800000, v5  }
0x28: {  	v59 =	vsel vm14, $0x3F800000, v5;
	v22 =	vsub.f32 v22, v25  }
0x29: {  	v16 =	vld.idx.msk [tilespmem:v16+s3+$0x0], $0xffff;
	vm15 =	vlt.f32 v21, v24;
	v23 =	vsub.f32 v23, v59  }
0x2a: {  	v60 =	vor.u32 s17, v7;
	v27 =	vld.idx.msk [tilespmem:v17+s3+$0x0], $0xffff;
	v17 =	vsub.f32 v19, v22;
	v19 =	vsel vm15, $0x3F800000, v5  }
0x2b: {  	v26 =	vor.u32 s17, v8;
	v20 =	vsub.f32 v20, v23;
	v19 =	vsub.f32 v24, v19  }
0x2c: {  	v28 =	vor.u32 s17, v3;
	v18 =	vld.idx.msk [tilespmem:v18+s3+$0x0], $0xffff;
	v23 =	vor.u32 s17, v1;
	v61 =	vadd.f32 $-5.000000000e-01, v17  }
0x2d: {  	v22 =	vor.u32 s17, v6;
	v20 =	vadd.f32 $-5.000000000e-01, v20;
	v19 =	vsub.f32 v21, v19  }
0x2e: {  	v62 =	vor.u32 s17, v10;
	v21 =	vor.u32 s17, v9  }
0x2f: {  	v25 =	vld.idx.msk [tilespmem:v60+s12+$0x0], $0xffff;
	v24 =	vmul.f32 v61, v16;
	v20 =	vmul.f32 v20, v27;
	v19 =	vadd.f32 $-5.000000000e-01, v19  }
0x30: {  	v29 =	vor.u32 s17, v11;
	v17 =	vld.idx.msk [tilespmem:v26+s12+$0x0], $0xffff  }
0x31: {  	v63 =	vor.u32 s17, v12;
	v23 =	vld.idx.msk [tilespmem:v23+s12+$0x0], $0xffff;
	v20 =	vadd.f32 v20, v24;
	v19 =	vmul.f32 v19, v18  }
0x32: {  	v22 =	vld.idx.msk [tilespmem:v22+s12+$0x0], $0xffff;
	[tilespmem:v28+s13+$0x0] =	vst.idx.msk $0xffff, v16;
	v16 =	vor.u32 s17, v13  }
0x33: {  	[tilespmem:v21+s13+$0x0] =	vst.idx.msk $0xffff, v27;
	v21 =	vor.u32 s17, v14;
	v19 =	vadd.f32 v19, v20  }
0x34: {  	[tilespmem:v62+s13+$0x0] =	vst.idx.msk $0xffff, v18  }
0x35: {  	s31 =	simm.s32 $0x30;
	v20 =	vor.u32 s17, v15;
	[tilespmem:v29+s13+$0x0] =	vst.idx.msk $0xffff, v19  }
0x36: {  	v18 =	vadd.s32 s31, v0;
	[tilespmem:v63+s13+$0x0] =	vst.idx.msk $0xffff, v23  }
0x37: {  	[tilespmem:v16+s13+$0x0] =	vst.idx.msk $0xffff, v22;
	v16 =	vadd.s32 s31, v2  }
0x38: {  	s21 =	simm.s32 $0x60;
	s18 =	simm.s32 $0x0;
	v19 =	vadd.s32 s31, v4;
	[tilespmem:v21+s13+$0x0] =	vst.idx.msk $0xffff, v25  }
.LBB2_3:
0x39: {  	s17 =	sadd.s32 $0x80, s17  }
0x3a: {  	[tilespmem:v20+s13+$0x0] =	vst.idx.msk $0xffff, v17;
	s18 =	sadd.s32 $0x40, s18;
	s20 =	smov.u32 s21;
	s19 =	sadd.s32 $0x30, s21  }
0x3b: {  	p0 =	sne.s32 s21, $0x2FD0;
	v17 =	vld.idx.msk [tilespmem:v18+s11+$0x0], $0xffff  }
0x3c: {  	v20 =	vld.idx.msk [tilespmem:v16+s11+$0x0], $0xffff;
	_ =	sdelay $0x1  }
0x3d: {  	v21 =	vld.idx.msk [tilespmem:v19+s11+$0x0], $0xffff;
	_ =	sdelay $0x2  }
0x3e: {  	v22 =	vtrunc.f32 v17  }
0x3f: {  	v22 =	vcvt.f32.s32 v22;
	v23 =	vtrunc.f32 v20  }
0x40: {  	v23 =	vcvt.f32.s32 v23  }
0x41: {  	v22 =	vcvt.s32.f32 v22;
	v24 =	vtrunc.f32 v21  }
0x42: {  	v25 =	vor.u32 s18, v8;
	v23 =	vcvt.s32.f32 v23;
	v24 =	vcvt.f32.s32 v24  }
0x43: {  	v26 =	vor.u32 s18, v6;
	v27 =	vor.u32 s18, v7;
	vm0 =	vlt.f32 v17, v22  }
0x44: {  	v28 =	vsel vm0, $0x3F800000, v5;
	vm0 =	vlt.f32 v20, v23;
	v24 =	vcvt.s32.f32 v24;
	v19 =	vld.idx.msk [tilespmem:v19+s3+$0x0], $0xffff  }
0x45: {  	v29 =	vor.u32 s18, v1;
	v22 =	vsub.f32 v22, v28;
	v28 =	vsel vm0, $0x3F800000, v5;
	v18 =	vld.idx.msk [tilespmem:v18+s3+$0x0], $0xffff  }
0x46: {  	v23 =	vsub.f32 v23, v28;
	vm0 =	vlt.f32 v21, v24;
	v28 =	vor.u32 s17, v3;
	v16 =	vld.idx.msk [tilespmem:v16+s3+$0x0], $0xffff  }
0x47: {  	v22 =	vsub.f32 v17, v22;
	v30 =	vsel vm0, $0x3F800000, v5;
	v17 =	vld.idx.msk [tilespmem:v25+s12+$0x0], $0xffff;
	v25 =	vor.u32 s17, v9  }
0x48: {  	v20 =	vsub.f32 v20, v23;
	v23 =	vsub.f32 v24, v30;
	v24 =	vld.idx.msk [tilespmem:v27+s12+$0x0], $0xffff;
	v27 =	vor.u32 s17, v10  }
0x49: {  	v22 =	vadd.f32 $-5.000000000e-01, v22;
	v26 =	vld.idx.msk [tilespmem:v26+s12+$0x0], $0xffff  }
0x4a: {  	v20 =	vadd.f32 $-5.000000000e-01, v20;
	v21 =	vsub.f32 v21, v23;
	v23 =	vld.idx.msk [tilespmem:v29+s12+$0x0], $0xffff  }
0x4b: {  	v22 =	vmul.f32 v22, v18;
	[tilespmem:v28+s13+$0x0] =	vst.idx.msk $0xffff, v18  }
0x4c: {  	v18 =	vmul.f32 v20, v16;
	v20 =	vadd.f32 $-5.000000000e-01, v21;
	[tilespmem:v25+s13+$0x0] =	vst.idx.msk $0xffff, v16  }
0x4d: {  	v16 =	vor.u32 s17, v11;
	[tilespmem:v27+s13+$0x0] =	vst.idx.msk $0xffff, v19  }
0x4e: {  	v21 =	vor.u32 s17, v12;
	v18 =	vadd.f32 v18, v22;
	v19 =	vmul.f32 v20, v19  }
0x4f: {  	v22 =	vor.u32 s17, v13  }
0x50: {  	v25 =	vor.u32 s17, v14;
	v19 =	vadd.f32 v19, v18  }
.Ltmp0:
0x51: {  	v20 =	vor.u32 s17, v15;
	(pc) =	sbr.rel @p0 .LBB2_3-.Ltmp0, $4  }
0x52: {  	v18 =	vadd.s32 s20, v0;
	[tilespmem:v16+s13+$0x0] =	vst.idx.msk $0xffff, v19  }
0x53: {  	v16 =	vadd.s32 s20, v2;
	[tilespmem:v21+s13+$0x0] =	vst.idx.msk $0xffff, v23  }
0x54: {  	[tilespmem:v22+s13+$0x0] =	vst.idx.msk $0xffff, v26  }
0x55: {  	s21 =	smov.u32 s19;
	v19 =	vadd.s32 s20, v4;
	[tilespmem:v25+s13+$0x0] =	vst.idx.msk $0xffff, v24  }
0x56: {  	_ =	sdelay $0x3  }
0x57: {  	[tilespmem:v20+s13+$0x0] =	vst.idx.msk $0xffff, v17  }
0x58: {  	v17 =	vld.idx.msk [tilespmem:v18+s11+$0x0], $0xffff  }
0x59: {  	v20 =	vld.idx.msk [tilespmem:v16+s11+$0x0], $0xffff;
	_ =	sdelay $0x1  }
0x5a: {  	v21 =	vld.idx.msk [tilespmem:v19+s11+$0x0], $0xffff;
	_ =	sdelay $0x1  }
0x5b: {  	v22 =	vtrunc.f32 v17  }
0x5c: {  	v23 =	vtrunc.f32 v20;
	v22 =	vcvt.f32.s32 v22  }
0x5d: {  	v23 =	vcvt.f32.s32 v23  }
0x5e: {  	v24 =	vtrunc.f32 v21;
	v22 =	vcvt.s32.f32 v22  }
0x5f: {  	v24 =	vcvt.f32.s32 v24;
	v23 =	vcvt.s32.f32 v23  }
0x60: {  	vm0 =	vlt.f32 v17, v22  }
0x61: {  	v24 =	vcvt.s32.f32 v24;
	vm14 =	vlt.f32 v20, v23;
	v25 =	vsel vm0, $0x3F800000, v5  }
0x62: {  	v51 =	vsel vm14, $0x3F800000, v5;
	v22 =	vsub.f32 v22, v25  }
0x63: {  	s18 =	sadd.s32 $0x40, s18;
	v52 =	vld.idx.msk [tilespmem:v18+s3+$0x0], $0xffff;
	vm15 =	vlt.f32 v21, v24;
	v23 =	vsub.f32 v23, v51  }
0x64: {  	v26 =	vor.u32 s18, v8;
	v16 =	vld.idx.msk [tilespmem:v16+s3+$0x0], $0xffff;
	v54 =	vsel vm15, $0x3F800000, v5;
	v17 =	vsub.f32 v17, v22  }
0x65: {  	v27 =	vor.u32 s18, v6;
	v20 =	vsub.f32 v20, v23;
	v22 =	vsub.f32 v24, v54  }
0x66: {  	s17 =	sadd.s32 $0x80, s17;
	v53 =	vor.u32 s18, v7;
	v55 =	vld.idx.msk [tilespmem:v19+s3+$0x0], $0xffff;
	v56 =	vor.u32 s18, v1;
	v17 =	vadd.f32 $-5.000000000e-01, v17  }
0x67: {  	v57 =	vor.u32 s17, v3;
	v20 =	vadd.f32 $-5.000000000e-01, v20;
	v21 =	vsub.f32 v21, v22  }
0x68: {  	v59 =	vor.u32 s17, v9;
	v28 =	vor.u32 s17, v10  }
0x69: {  	v58 =	vld.idx.msk [tilespmem:v26+s12+$0x0], $0xffff;
	v17 =	vmul.f32 v17, v52;
	v20 =	vmul.f32 v20, v16;
	v21 =	vadd.f32 $-5.000000000e-01, v21  }
0x6a: {  	v29 =	vor.u32 s17, v11;
	v27 =	vld.idx.msk [tilespmem:v27+s12+$0x0], $0xffff  }
0x6b: {  	v61 =	vor.u32 s17, v12;
	v23 =	vld.idx.msk [tilespmem:v56+s12+$0x0], $0xffff;
	v17 =	vadd.f32 v20, v17;
	v60 =	vmul.f32 v21, v55  }
0x6c: {  	v62 =	vor.u32 s17, v13;
	v25 =	vld.idx.msk [tilespmem:v53+s12+$0x0], $0xffff;
	[tilespmem:v57+s13+$0x0] =	vst.idx.msk $0xffff, v52  }
0x6d: {  	[tilespmem:v59+s13+$0x0] =	vst.idx.msk $0xffff, v16;
	v16 =	vadd.f32 v60, v17;
	v17 =	vor.u32 s17, v14  }
0x6e: {  	v63 =	vor.u32 s17, v15;
	[tilespmem:v28+s13+$0x0] =	vst.idx.msk $0xffff, v55  }
0x6f: {  	[tilespmem:v29+s13+$0x0] =	vst.idx.msk $0xffff, v16  }
0x70: {  	[tilespmem:v61+s13+$0x0] =	vst.idx.msk $0xffff, v23  }
0x71: {  	s15 =	sadd.s32 $0x1, s15;
	[tilespmem:v62+s13+$0x0] =	vst.idx.msk $0xffff, v27  }
0x72: {  	s16 =	sshll.u32 s16, $0x4;
	p0 =	sne.s32 s15, $0x8;
	[tilespmem:v17+s13+$0x0] =	vst.idx.msk $0xffff, v25  }
.Ltmp1:
0x73: {  	s16 =	sadd.s32 s1, s16;
	[tilespmem:v63+s13+$0x0] =	vst.idx.msk $0xffff, v58;
	(pc) =	sbr.rel @p0 .LBB2_2-.Ltmp1, $4  }
0x74: {  	[hbm4b:s16+s3] =	stream.linear.scatter [tilespmem:s13], [sflag:$0x1], $0x8000, $0x38;
	[tilespmem:$0x12000] =	vst v63  }
0x75: {  	_ =	swait.ge [sflag:s10], $0x8000  }
0x76: {  	[sflag:s10] =	ssyncset.done $0x0  }
0x77: {  	[sflag:s10] =	ssyncadd.s32 $0xFFFF8000  }
0x78: {  	s14 =	sadd.s32 $0x1, s14  }
0x79: {  	p0 =	sne.s32 s14, s9  }
.Ltmp2:
0x7a: {  	_ = 	snop;
	(pc) =	sbr.rel @p0 .LBB2_1-.Ltmp2, $1  }
0x7b: {  	_ =	sdelay $0x3  }
0x7c: {  	_ =	sfence.sel $0x180000  }
0x7d: {  	[bflag:$0x0] =	sbarrier.arrive $0xFFFF  }
0x7e: {  	p0 =	sne.s32 s2, $0x0;
	_ =	strace $0x90000047  }
0x7f: {  	s0 =	sadd.s32 @!p0 $0x100000, s0;
	[bflag:$0x2] =	sbarrier.arrive $0xFFFF  }
0x80: {  	[sflag:s0] =	ssyncadd.tile.s32 @!p0 $0x1;
	_ =	shalt  }
.Lfunc_end2:
_tile_overlayer_lowered:
.L_overlay_start_2:
0x81: {  	(tag) =	ssettag $0x2  }
0x82: {  	s0 =	rddreg [dreg:$0x0];
	s2 =	stileid.u32  }
0x83: {  	s1 =	rddreg [dreg:$0x1];
	p0 =	sne.s32 s2, $0x0  }
0x84: {  	s3 =	rddreg [dreg:$0x2];
	[bflag:$0x3] =	sbarrier.arrive $0xFFFF;
	s2 =	simm.s32 @!p0 $0x1C01  }
0x85: {  	[timem:s3], [sflag:s2] =	dma.local @!p0 [hbm:s0], s1  }
0x86: {  	s0 =	simm.s32 @!p0 $0x1  }
0x87: {  	_ =	swait.ge @!p0 [sflag:s0], s1  }
0x88: {  	s1 =	ssub.s32 @!p0 $0x0, s1;
	[sflag:s0] =	ssyncset.done @!p0 $0x0  }
0x89: {  	[sflag:s0] =	ssyncadd.s32 @!p0 s1  }
0x8a: {  	[bflag:$0x3] =	sbarrier.arrive $0xFFFF  }
0x8b: {  	_ =	shalt  }

</sc_bundles>
